<compile_context>
chip_gen: v7x
topology: tpu7x:2x2x1
jax: 0.10.2.dev20260603
libtpu: 0.0.44.dev20260713+nightly
codegen_flags: <defaults>
</compile_context>

<pallas_src>
import functools

import jax
import jax.numpy as jnp
from jax import lax
from jax.experimental import pallas as pl
from jax.experimental.pallas import tpu as pltpu
from jax.experimental.pallas import tpu_sc as plsc

_I_T = 512

_T = 256
_K = 2
_E = 8


def _routing_sc_kernel(idx_hbm, w_hbm, out_hbm, idx_v, w_v, acc_v):
    nc = 2
    wid = lax.axis_index("s") * nc + lax.axis_index("c")
    base = wid * 16

    pltpu.sync_copy(idx_hbm.at[pl.ds(base, 16)], idx_v)
    pltpu.sync_copy(w_hbm.at[pl.ds(base, 16)], w_v)

    for j in range(4):
        acc_v[pl.ds(j * 16, 16)] = jnp.zeros((16,), jnp.float32)

    lane = lax.iota(jnp.int32, 16)
    tok_local = lax.shift_right_logical(lane, 1)
    tgt = tok_local * _E + idx_v[...]
    even = (lane & 1) == 0
    plsc.addupdate_scatter(acc_v, [tgt], w_v[...], mask=even)
    plsc.addupdate_scatter(acc_v, [tgt], w_v[...], mask=jnp.logical_not(even))

    pltpu.sync_copy(acc_v, out_hbm.at[pl.ds(wid * 64, 64)])


def _routing_weights_sc(idx_flat, w_flat):
    mesh = plsc.VectorSubcoreMesh(core_axis_name="c", subcore_axis_name="s")
    kfn = functools.partial(
        pl.kernel,
        mesh=mesh,
        out_type=jax.ShapeDtypeStruct((_T * _E,), jnp.float32),
        scratch_types=[
            pltpu.VMEM((16,), jnp.int32),
            pltpu.VMEM((16,), jnp.float32),
            pltpu.VMEM((64,), jnp.float32),
        ],
        compiler_params=pltpu.CompilerParams(needs_layout_passes=False),
    )(_routing_sc_kernel)
    return kfn(idx_flat, w_flat).reshape(_T, _E)


def _moe_kernel(wd_ref, x_ref, g_ref, u_ref, d_ref, out_ref):
    e = pl.program_id(0)
    i = pl.program_id(1)

    @pl.when((e == 0) & (i == 0))
    def _init():
        out_ref[...] = jnp.zeros_like(out_ref)

    x = x_ref[...]
    g = g_ref[0].astype(jnp.bfloat16)
    u = u_ref[0].astype(jnp.bfloat16)
    d = d_ref[0].astype(jnp.bfloat16)

    dn = (((1,), (1,)), ((), ()))
    gate = jax.lax.dot_general(x, g, dn, preferred_element_type=jnp.float32)
    up = jax.lax.dot_general(x, u, dn, preferred_element_type=jnp.float32)
    inter = (gate * jax.lax.logistic(gate) * up).astype(jnp.bfloat16)
    part = jax.lax.dot_general(inter, d, dn, preferred_element_type=jnp.float32)

    col = jax.lax.broadcasted_iota(jnp.int32, wd_ref.shape, 1)
    w_e = jnp.sum(jnp.where(col == e, wd_ref[...], 0.0), axis=1,
                  keepdims=True)
    out_ref[...] += w_e * part


def kernel(x, expert_indices, expert_weights, gate_proj, up_proj, down_proj):
    b, s, h = x.shape
    t = b * s
    e, i_dim, _ = gate_proj.shape

    x_flat = x.reshape(t, h).astype(jnp.bfloat16)
    idx_flat = expert_indices.reshape(t * _K)
    w_flat = expert_weights.reshape(t * _K).astype(jnp.float32)

    w_dense = _routing_weights_sc(idx_flat, w_flat)

    grid = (e, i_dim // _I_T)
    out = pl.pallas_call(
        _moe_kernel,
        grid=grid,
        in_specs=[
            pl.BlockSpec((t, _E), lambda ei, ii: (0, 0)),
            pl.BlockSpec((t, h), lambda ei, ii: (0, 0)),
            pl.BlockSpec((1, _I_T, h), lambda ei, ii: (ei, ii, 0)),
            pl.BlockSpec((1, _I_T, h), lambda ei, ii: (ei, ii, 0)),
            pl.BlockSpec((1, h, _I_T), lambda ei, ii: (ei, 0, ii)),
        ],
        out_specs=pl.BlockSpec((t, h), lambda ei, ii: (0, 0)),
        out_shape=jax.ShapeDtypeStruct((t, h), jnp.float32),
    )(w_dense, x_flat, gate_proj, up_proj, down_proj)
    return out.reshape(b, s, h)

# --- scband reference (transcript-rebuilt; emitter-appended) ---
"""Pipeline reference for scband-model-new-4647154615367 (READ-ONLY COPY).

The authoritative reference and input builder live on the scoring server;
editing this copy changes nothing except your own understanding.
"""

import jax, jax.numpy as jnp
import numpy as np

B, S, H = 32, 8, 2048
I, E, K = 5632, 8, 2

def setup_inputs(seed: int = 0) -> dict:
    key = jax.random.key(seed)
    k1, k2, k3, k4, k5, k6 = jax.random.split(key, 6)
    x = jax.random.normal(k1, (B, S, H), dtype=jnp.float32)
    expert_indices = jax.random.randint(k2, (B, S, K), 0, E, dtype=jnp.int32)
    expert_weights = jax.random.uniform(k3, (B, S, K), dtype=jnp.float32)
    gate_proj = jax.random.normal(k4, (E, I, H), dtype=jnp.float32) * 0.02
    up_proj = jax.random.normal(k5, (E, I, H), dtype=jnp.float32) * 0.02
    down_proj = jax.random.normal(k6, (E, H, I), dtype=jnp.float32) * 0.02
    return {"x": x, "expert_indices": expert_indices, "expert_weights": expert_weights,
            "gate_proj": gate_proj, "up_proj": up_proj, "down_proj": down_proj}

def reference(x, expert_indices, expert_weights, gate_proj, up_proj, down_proj):
    # Faithful MoE: out[t] = sum_s expert_weights[t,s] * f_{expert_indices[t,s]}(x[t])
    # where f_e(h) = (silu(h @ gate_e^T) * (h @ up_e^T)) @ down_e^T  (F.linear semantics).
    # The per-expert gather + weighted scatter-add of the torch module is expressed here
    # as a dense one-hot weighted combine, which is mathematically identical
    # (duplicate expert slots sum their routing weights, same as atomicAdd).
    x = x.astype(jnp.float32)
    expert_weights = expert_weights.astype(jnp.float32)
    b, s, h = x.shape
    x_flat = x.reshape(-1, h)
    t = x_flat.shape[0]
    e = gate_proj.shape[0]
    idx_flat = expert_indices.reshape(t, -1)
    w_flat = expert_weights.reshape(t, -1)
    one_hot = jax.nn.one_hot(idx_flat, e, dtype=jnp.float32)  # (T, K, E)
    w_dense = jnp.einsum('tk,tke->te', w_flat, one_hot)       # (T, E) summed routing weight per expert
    gate_lin = jnp.einsum('th,eih->tei', x_flat, gate_proj)   # (T, E, I)
    up_lin = jnp.einsum('th,eih->tei', x_flat, up_proj)       # (T, E, I)
    intermediate = jax.nn.silu(gate_lin) * up_lin             # SiLU(gate) * up
    expert_out = jnp.einsum('tei,ehi->teh', intermediate, down_proj)  # (T, E, H)
    out = jnp.einsum('te,teh->th', w_dense, expert_out)       # weighted scatter-add combine
    return out.reshape(b, s, h)

if __name__ == "__main__":
    import jax
    _d = setup_inputs()
    print(jax.jit(kernel)(*tuple(_d.values())))

</pallas_src>

<mosaic_0001>
#map = affine_map<(d0, d1) -> (0)>
module attributes {stable_mosaic.version = 14 : i64} {
  func.func @_routing_sc_kernel(%arg0: i32, %arg1: i32, %arg2: memref<512xi32, #tpu.memory_space<hbm>>, %arg3: memref<512xf32, #tpu.memory_space<hbm>>, %arg4: memref<2048xf32, #tpu.memory_space<hbm>>, %arg5: memref<16xi32, #tpu.memory_space<vmem>>, %arg6: memref<16xf32, #tpu.memory_space<vmem>>, %arg7: memref<64xf32, #tpu.memory_space<vmem>>) attributes {dimension_semantics = [#tpu.dimension_semantics<core_parallel>, #tpu.dimension_semantics<subcore_parallel>], iteration_bounds = array<i64: 2, 16>, scalar_prefetch = 0 : i64, scratch_operands = 3 : i64, tpu.core_type = #tpu.core_type<sc_vector_subcore>, window_params = [{transform_indices = #map}, {transform_indices = #map}, {transform_indices = #map}]} {
    %mul3A = arith.constant 2 : i32
    %mul3A_0 = arith.muli %arg1, %mul3A : i32
    %add3A = arith.addi %mul3A_0, %arg0 : i32
    %mul3A_1 = arith.constant 16 : i32
    %mul3A_2 = arith.muli %add3A, %mul3A_1 : i32
    "tpu.region"() ({
      %run_scoped3A = tpu.sem_alloc : memref<!tpu.dma_semaphore, #tpu.memory_space<semaphore_mem>>
      %dma_start3A = tpu.memref_slice %arg2[%mul3A_2] : memref<512xi32, #tpu.memory_space<hbm>> -> memref<16xi32, #tpu.memory_space<hbm>>
      %dma_start3A_35 = tpu.memref_slice %arg2[%mul3A_2] : memref<512xi32, #tpu.memory_space<hbm>> -> memref<16xi32, #tpu.memory_space<hbm>>
      tpu.enqueue_dma source(%dma_start3A_35 : memref<16xi32, #tpu.memory_space<hbm>>) target(%arg5 : memref<16xi32, #tpu.memory_space<vmem>>) target_semaphore(%run_scoped3A : memref<!tpu.dma_semaphore, #tpu.memory_space<semaphore_mem>>)
      %dma_wait3A = tpu.memref_slice %arg2[%mul3A_2] : memref<512xi32, #tpu.memory_space<hbm>> -> memref<16xi32, #tpu.memory_space<hbm>>
      %dma_wait3A_36 = tpu.memref_slice %arg2[%mul3A_2] : memref<512xi32, #tpu.memory_space<hbm>> -> memref<16xi32, #tpu.memory_space<hbm>>
      tpu.wait_dma2 semaphore(%run_scoped3A : memref<!tpu.dma_semaphore, #tpu.memory_space<semaphore_mem>>) src(%dma_wait3A_36 : memref<16xi32, #tpu.memory_space<hbm>>) dst(%arg5 : memref<16xi32, #tpu.memory_space<vmem>>)
      tpu.yield
    }) : () -> ()
    "tpu.region"() ({
      %run_scoped3A = tpu.sem_alloc : memref<!tpu.dma_semaphore, #tpu.memory_space<semaphore_mem>>
      %dma_start3A = tpu.memref_slice %arg3[%mul3A_2] : memref<512xf32, #tpu.memory_space<hbm>> -> memref<16xf32, #tpu.memory_space<hbm>>
      %dma_start3A_35 = tpu.memref_slice %arg3[%mul3A_2] : memref<512xf32, #tpu.memory_space<hbm>> -> memref<16xf32, #tpu.memory_space<hbm>>
      tpu.enqueue_dma source(%dma_start3A_35 : memref<16xf32, #tpu.memory_space<hbm>>) target(%arg6 : memref<16xf32, #tpu.memory_space<vmem>>) target_semaphore(%run_scoped3A : memref<!tpu.dma_semaphore, #tpu.memory_space<semaphore_mem>>)
      %dma_wait3A = tpu.memref_slice %arg3[%mul3A_2] : memref<512xf32, #tpu.memory_space<hbm>> -> memref<16xf32, #tpu.memory_space<hbm>>
      %dma_wait3A_36 = tpu.memref_slice %arg3[%mul3A_2] : memref<512xf32, #tpu.memory_space<hbm>> -> memref<16xf32, #tpu.memory_space<hbm>>
      tpu.wait_dma2 semaphore(%run_scoped3A : memref<!tpu.dma_semaphore, #tpu.memory_space<semaphore_mem>>) src(%dma_wait3A_36 : memref<16xf32, #tpu.memory_space<hbm>>) dst(%arg6 : memref<16xf32, #tpu.memory_space<vmem>>)
      tpu.yield
    }) : () -> ()
    %broadcast_in_dim3A = arith.constant 0.000000e+00 : f32
    %broadcast_in_dim3A_3 = vector.broadcast %broadcast_in_dim3A : f32 to vector<16xf32>
    %swap3A = arith.constant 0 : index
    %swap3A_4 = tpu.vector_load %arg7[%swap3A] {strides = array<i32>} : memref<64xf32, #tpu.memory_space<vmem>>, vector<16xf32>,
    tpu.vector_store %arg7[%swap3A], %broadcast_in_dim3A_3 {strides = array<i32>} : memref<64xf32, #tpu.memory_space<vmem>>, vector<16xf32>,
    %broadcast_in_dim3A_5 = arith.constant 0.000000e+00 : f32
    %broadcast_in_dim3A_6 = vector.broadcast %broadcast_in_dim3A_5 : f32 to vector<16xf32>
    %swap3A_7 = arith.constant 16 : index
    %swap3A_8 = tpu.vector_load %arg7[%swap3A_7] {strides = array<i32>} : memref<64xf32, #tpu.memory_space<vmem>>, vector<16xf32>,
    tpu.vector_store %arg7[%swap3A_7], %broadcast_in_dim3A_6 {strides = array<i32>} : memref<64xf32, #tpu.memory_space<vmem>>, vector<16xf32>,
    %broadcast_in_dim3A_9 = arith.constant 0.000000e+00 : f32
    %broadcast_in_dim3A_10 = vector.broadcast %broadcast_in_dim3A_9 : f32 to vector<16xf32>
    %swap3A_11 = arith.constant 32 : index
    %swap3A_12 = tpu.vector_load %arg7[%swap3A_11] {strides = array<i32>} : memref<64xf32, #tpu.memory_space<vmem>>, vector<16xf32>,
    tpu.vector_store %arg7[%swap3A_11], %broadcast_in_dim3A_10 {strides = array<i32>} : memref<64xf32, #tpu.memory_space<vmem>>, vector<16xf32>,
    %broadcast_in_dim3A_13 = arith.constant 0.000000e+00 : f32
    %broadcast_in_dim3A_14 = vector.broadcast %broadcast_in_dim3A_13 : f32 to vector<16xf32>
    %swap3A_15 = arith.constant 48 : index
    %swap3A_16 = tpu.vector_load %arg7[%swap3A_15] {strides = array<i32>} : memref<64xf32, #tpu.memory_space<vmem>>, vector<16xf32>,
    tpu.vector_store %arg7[%swap3A_15], %broadcast_in_dim3A_14 {strides = array<i32>} : memref<64xf32, #tpu.memory_space<vmem>>, vector<16xf32>,
    %iota3A = tpu.iota {dimensions = array<i32: 0>} : vector<16xi32>
    %shift_right_logical3A = arith.constant 1 : i32
    %shift_right_logical3A_17 = vector.broadcast %shift_right_logical3A : i32 to vector<16xi32>
    %shift_right_logical3A_18 = arith.shrui %iota3A, %shift_right_logical3A_17 : vector<16xi32>
    %mul3A_19 = arith.constant 8 : i32
    %mul3A_20 = vector.broadcast %mul3A_19 : i32 to vector<16xi32>
    %mul3A_21 = arith.muli %shift_right_logical3A_18, %mul3A_20 : vector<16xi32>
    %get3A = arith.constant 0 : index
    %get3A_22 = tpu.vector_load %arg5[%get3A] {strides = array<i32>} : memref<16xi32, #tpu.memory_space<vmem>>, vector<16xi32>,
    %add3A_23 = arith.addi %mul3A_21, %get3A_22 : vector<16xi32>
    %and3A = arith.constant 1 : i32
    %and3A_24 = vector.broadcast %and3A : i32 to vector<16xi32>
    %and3A_25 = arith.andi %iota3A, %and3A_24 : vector<16xi32>
    %eq3A = arith.constant 0 : i32
    %eq3A_26 = vector.broadcast %eq3A : i32 to vector<16xi32>
    %eq3A_27 = arith.cmpi eq, %and3A_25, %eq3A_26 : vector<16xi32>
    %get3A_28 = arith.constant 0 : index
    %get3A_29 = tpu.vector_load %arg6[%get3A_28] {strides = array<i32>} : memref<16xf32, #tpu.memory_space<vmem>>, vector<16xf32>,
    tpu.vector_store_idx %arg7[%add3A_23], %get3A_29 masked %eq3A_27 {add = true} : memref<64xf32, #tpu.memory_space<vmem>>[vector<16xi32>], vector<16xf32>, vector<16xi1>
    %get3A_30 = arith.constant 0 : index
    %get3A_31 = tpu.vector_load %arg6[%get3A_30] {strides = array<i32>} : memref<16xf32, #tpu.memory_space<vmem>>, vector<16xf32>,
    %not3A = arith.constant dense<true> : vector<16xi1>
    %not3A_32 = arith.xori %eq3A_27, %not3A : vector<16xi1>
    tpu.vector_store_idx %arg7[%add3A_23], %get3A_31 masked %not3A_32 {add = true} : memref<64xf32, #tpu.memory_space<vmem>>[vector<16xi32>], vector<16xf32>, vector<16xi1>
    %mul3A_33 = arith.constant 64 : i32
    %mul3A_34 = arith.muli %add3A, %mul3A_33 : i32
    "tpu.region"() ({
      %run_scoped3A = tpu.sem_alloc : memref<!tpu.dma_semaphore, #tpu.memory_space<semaphore_mem>>
      %dma_start3A = tpu.memref_slice %arg4[%mul3A_34] : memref<2048xf32, #tpu.memory_space<hbm>> -> memref<64xf32, #tpu.memory_space<hbm>>
      %dma_start3A_35 = tpu.memref_slice %arg4[%mul3A_34] : memref<2048xf32, #tpu.memory_space<hbm>> -> memref<64xf32, #tpu.memory_space<hbm>>
      tpu.enqueue_dma source(%arg7 : memref<64xf32, #tpu.memory_space<vmem>>) target(%dma_start3A_35 : memref<64xf32, #tpu.memory_space<hbm>>) target_semaphore(%run_scoped3A : memref<!tpu.dma_semaphore, #tpu.memory_space<semaphore_mem>>)
      %dma_wait3A = tpu.memref_slice %arg4[%mul3A_34] : memref<2048xf32, #tpu.memory_space<hbm>> -> memref<64xf32, #tpu.memory_space<hbm>>
      %dma_wait3A_36 = tpu.memref_slice %arg4[%mul3A_34] : memref<2048xf32, #tpu.memory_space<hbm>> -> memref<64xf32, #tpu.memory_space<hbm>>
      tpu.wait_dma2 semaphore(%run_scoped3A : memref<!tpu.dma_semaphore, #tpu.memory_space<semaphore_mem>>) src(%arg7 : memref<64xf32, #tpu.memory_space<vmem>>) dst(%dma_wait3A_36 : memref<64xf32, #tpu.memory_space<hbm>>)
      tpu.yield
    }) : () -> ()
    return
  }
}

module attributes {stable_mosaic.version = 14 : i64} {
  func.func @_moe_kernel(%arg0: i32, %arg1: i32, %arg2: memref<256x8xf32, #tpu.memory_space<vmem>>, %arg3: memref<256x2048xbf16, #tpu.memory_space<vmem>>, %arg4: memref<1x512x2048xf32, #tpu.memory_space<vmem>>, %arg5: memref<1x512x2048xf32, #tpu.memory_space<vmem>>, %arg6: memref<1x2048x512xf32, #tpu.memory_space<vmem>>, %arg7: memref<256x2048xf32, #tpu.memory_space<vmem>>) attributes {dimension_semantics = [#tpu.dimension_semantics<arbitrary>, #tpu.dimension_semantics<arbitrary>], iteration_bounds = array<i64: 8, 11>, scalar_prefetch = 0 : i64, scratch_operands = 0 : i64, tpu.core_type = #tpu.core_type<tc>, window_params = [{pipeline_mode = #tpu.pipeline_mode<synchronous>, transform_indices = @transform_0, window_bounds = array<i64: 256, 8>}, {pipeline_mode = #tpu.pipeline_mode<synchronous>, transform_indices = @transform_1, window_bounds = array<i64: 256, 2048>}, {transform_indices = @transform_2, window_bounds = array<i64: 1, 512, 2048>}, {transform_indices = @transform_3, window_bounds = array<i64: 1, 512, 2048>}, {transform_indices = @transform_4, window_bounds = array<i64: 1, 2048, 512>}, {pipeline_mode = #tpu.pipeline_mode<synchronous>, transform_indices = @transform_5, window_bounds = array<i64: 256, 2048>}]} {
    %eq3A = arith.constant 0 : i32
    %eq3A_0 = arith.cmpi eq, %arg0, %eq3A : i32
    %eq3A_1 = arith.constant 0 : i32
    %eq3A_2 = arith.cmpi eq, %arg1, %eq3A_1 : i32
    %and3A = arith.andi %eq3A_0, %eq3A_2 : i1
    %convert_element_type3A = arith.extui %and3A : i1 to i32
    %cond3A = arith.constant 0 : i32
    %cond3A_3 = arith.cmpi ne, %convert_element_type3A, %cond3A : i32
    scf.if %cond3A_3 {
      %broadcast_in_dim3A_50 = arith.constant 0.000000e+00 : f32
      %broadcast_in_dim3A_51 = vector.broadcast %broadcast_in_dim3A_50 : f32 to vector<256x2048xf32>
      %swap3A_52 = arith.constant 0 : index
      %swap3A_53 = arith.constant 0 : index
      %swap3A_54 = vector.load %arg7[%swap3A_52, %swap3A_53] : memref<256x2048xf32, #tpu.memory_space<vmem>>, vector<256x2048xf32>
      tpu.vector_store %arg7[%swap3A_52, %swap3A_53], %broadcast_in_dim3A_51 {strides = array<i32>} : memref<256x2048xf32, #tpu.memory_space<vmem>>, vector<256x2048xf32>,
    } else {
    }
    %get3A = arith.constant 0 : index
    %get3A_4 = arith.constant 0 : index
    %get3A_5 = vector.load %arg3[%get3A, %get3A_4] : memref<256x2048xbf16, #tpu.memory_space<vmem>>, vector<256x2048xbf16>
    %get3A_6 = arith.constant 0 : index
    %get3A_7 = arith.constant 0 : index
    %get3A_8 = arith.constant 0 : index
    %get3A_9 = vector.load %arg4[%get3A_6, %get3A_7, %get3A_8] : memref<1x512x2048xf32, #tpu.memory_space<vmem>>, vector<1x512x2048xf32>
    %get3A_10 = vector.shape_cast %get3A_9 : vector<1x512x2048xf32> to vector<512x2048xf32>
    %convert_element_type3A_11 = arith.truncf %get3A_10 : vector<512x2048xf32> to vector<512x2048xbf16>
    %get3A_12 = arith.constant 0 : index
    %get3A_13 = arith.constant 0 : index
    %get3A_14 = arith.constant 0 : index
    %get3A_15 = vector.load %arg5[%get3A_12, %get3A_13, %get3A_14] : memref<1x512x2048xf32, #tpu.memory_space<vmem>>, vector<1x512x2048xf32>
    %get3A_16 = vector.shape_cast %get3A_15 : vector<1x512x2048xf32> to vector<512x2048xf32>
    %convert_element_type3A_17 = arith.truncf %get3A_16 : vector<512x2048xf32> to vector<512x2048xbf16>
    %get3A_18 = arith.constant 0 : index
    %get3A_19 = arith.constant 0 : index
    %get3A_20 = arith.constant 0 : index
    %get3A_21 = vector.load %arg6[%get3A_18, %get3A_19, %get3A_20] : memref<1x2048x512xf32, #tpu.memory_space<vmem>>, vector<1x2048x512xf32>
    %get3A_22 = vector.shape_cast %get3A_21 : vector<1x2048x512xf32> to vector<2048x512xf32>
    %convert_element_type3A_23 = arith.truncf %get3A_22 : vector<2048x512xf32> to vector<2048x512xbf16>
    %dot_general3A = arith.constant dense<0.000000e+00> : vector<256x512xf32>
    %dot_general3A_24 = tpu.matmul %get3A_5, %convert_element_type3A_11, %dot_general3A {dimension_numbers = #tpu.dot_dimension_numbers<[1], [1], [0], [0], [0, 0, 1, 0], [], []>, transpose_lhs_hint = false} : vector<256x2048xbf16>, vector<512x2048xbf16>, vector<256x512xf32> -> vector<256x512xf32>
    %dot_general3A_25 = arith.constant dense<0.000000e+00> : vector<256x512xf32>
    %dot_general3A_26 = tpu.matmul %get3A_5, %convert_element_type3A_17, %dot_general3A_25 {dimension_numbers = #tpu.dot_dimension_numbers<[1], [1], [0], [0], [0, 0, 1, 0], [], []>, transpose_lhs_hint = false} : vector<256x2048xbf16>, vector<512x2048xbf16>, vector<256x512xf32> -> vector<256x512xf32>
    %logistic3A = arith.negf %dot_general3A_24 : vector<256x512xf32>
    %logistic3A_27 = math.exp %logistic3A : vector<256x512xf32>
    %logistic3A_28 = arith.constant 1.000000e+00 : f32
    %logistic3A_29 = vector.broadcast %logistic3A_28 : f32 to vector<256x512xf32>
    %logistic3A_30 = arith.addf %logistic3A_29, %logistic3A_27 : vector<256x512xf32>
    %logistic3A_31 = arith.divf %logistic3A_29, %logistic3A_30 : vector<256x512xf32>
    %mul3A = arith.mulf %dot_general3A_24, %logistic3A_31 : vector<256x512xf32>
    %mul3A_32 = arith.mulf %mul3A, %dot_general3A_26 : vector<256x512xf32>
    %convert_element_type3A_33 = arith.truncf %mul3A_32 : vector<256x512xf32> to vector<256x512xbf16>
    %dot_general3A_34 = arith.constant dense<0.000000e+00> : vector<256x2048xf32>
    %dot_general3A_35 = tpu.matmul %convert_element_type3A_33, %convert_element_type3A_23, %dot_general3A_34 {dimension_numbers = #tpu.dot_dimension_numbers<[1], [1], [0], [0], [0, 0, 1, 0], [], []>, transpose_lhs_hint = false} : vector<256x512xbf16>, vector<2048x512xbf16>, vector<256x2048xf32> -> vector<256x2048xf32>
    %iota3A = tpu.iota {dimensions = array<i32: 1>} : vector<256x8xi32>
    %eq3A_36 = vector.broadcast %arg0 : i32 to vector<256x8xi32>
    %eq3A_37 = arith.cmpi eq, %iota3A, %eq3A_36 : vector<256x8xi32>
    %get3A_38 = arith.constant 0 : index
    %get3A_39 = arith.constant 0 : index
    %get3A_40 = vector.load %arg2[%get3A_38, %get3A_39] : memref<256x8xf32, #tpu.memory_space<vmem>>, vector<256x8xf32>
    %jit3A = arith.constant 0.000000e+00 : f32
    %broadcast_in_dim3A = vector.broadcast %jit3A : f32 to vector<256x8xf32>
    %select_n3A = arith.select %eq3A_37, %get3A_40, %broadcast_in_dim3A : vector<256x8xi1>, vector<256x8xf32>
    %reduce_sum3A = arith.constant dense<0.000000e+00> : vector<256xf32>
    %reduce_sum3A_41 = vector.multi_reduction <add>, %select_n3A, %reduce_sum3A [1] : vector<256x8xf32> to vector<256xf32>
    %broadcast_in_dim3A_42 = vector.shape_cast %reduce_sum3A_41 : vector<256xf32> to vector<256x1xf32>
    %get3A_43 = arith.constant 0 : index
    %get3A_44 = arith.constant 0 : index
    %get3A_45 = vector.load %arg7[%get3A_43, %get3A_44] : memref<256x2048xf32, #tpu.memory_space<vmem>>, vector<256x2048xf32>
    %mul3A_46 = vector.broadcast %broadcast_in_dim3A_42 : vector<256x1xf32> to vector<256x2048xf32>
    %mul3A_47 = arith.mulf %mul3A_46, %dot_general3A_35 : vector<256x2048xf32>
    %add3A = arith.addf %get3A_45, %mul3A_47 : vector<256x2048xf32>
    %swap3A = arith.constant 0 : index
    %swap3A_48 = arith.constant 0 : index
    %swap3A_49 = vector.load %arg7[%swap3A, %swap3A_48] : memref<256x2048xf32, #tpu.memory_space<vmem>>, vector<256x2048xf32>
    tpu.vector_store %arg7[%swap3A, %swap3A_48], %add3A {strides = array<i32>} : memref<256x2048xf32, #tpu.memory_space<vmem>>, vector<256x2048xf32>,
    return
  }
  func.func @transform_0(%arg0: i32, %arg1: i32) -> (i32, i32) {
    %c0_i32 = arith.constant 0 : i32
    %c0_i32_0 = arith.constant 0 : i32
    %c0_i32_1 = arith.constant 0 : i32
    return %c0_i32, %c0_i32_0 : i32, i32
  }
  func.func @transform_1(%arg0: i32, %arg1: i32) -> (i32, i32) {
    %c0_i32 = arith.constant 0 : i32
    %c0_i32_0 = arith.constant 0 : i32
    %c0_i32_1 = arith.constant 0 : i32
    return %c0_i32, %c0_i32_0 : i32, i32
  }
  func.func @transform_2(%arg0: i32, %arg1: i32) -> (i32, i32, i32) {
    %c0_i32 = arith.constant 0 : i32
    %c0_i32_0 = arith.constant 0 : i32
    return %arg0, %arg1, %c0_i32 : i32, i32, i32
  }
  func.func @transform_3(%arg0: i32, %arg1: i32) -> (i32, i32, i32) {
    %c0_i32 = arith.constant 0 : i32
    %c0_i32_0 = arith.constant 0 : i32
    return %arg0, %arg1, %c0_i32 : i32, i32, i32
  }
  func.func @transform_4(%arg0: i32, %arg1: i32) -> (i32, i32, i32) {
    %c0_i32 = arith.constant 0 : i32
    %c0_i32_0 = arith.constant 0 : i32
    return %arg0, %c0_i32, %arg1 : i32, i32, i32
  }
  func.func @transform_5(%arg0: i32, %arg1: i32) -> (i32, i32) {
    %c0_i32 = arith.constant 0 : i32
    %c0_i32_0 = arith.constant 0 : i32
    %c0_i32_1 = arith.constant 0 : i32
    return %c0_i32, %c0_i32_0 : i32, i32
  }
}

</mosaic_0001>

<sc_bundles>
// kernel: kernel.4.cloned.1.call-start
scs
__scs_entry_jumppad:
0x0: {  	(pc) =	sbr.rel $0x88, $3  }
0x1: {  	(tag) =	ssettag $0x0;
	lr =	simm.s32 $0x1  }
0x2: {  	[smem:$0x3F9B] =	sst lr;
	_ =	strace $0xD0000000  }
0x3: {  	_ = 	snop  }
0x4: {  	_ = 	snop  }
0x5: {  	_ = 	snop  }
0x6: {  	_ = 	snop  }
0x7: {  	_ = 	snop  }
__scs_overlays_trampoline_lowered:
0x8: {  	[smem:$0x3FAA] =	sst s0  }
0x9: {  	[smem:$0x3FAB] =	sst s1  }
0xa: {  	[smem:$0x3FAC] =	sst s2  }
0xb: {  	[smem:$0x3FAD] =	sst s3  }
0xc: {  	[smem:$0x3FAE] =	sst s4  }
0xd: {  	[smem:$0x3FAF] =	sst s5  }
0xe: {  	[smem:$0x3FB0] =	sst s6  }
0xf: {  	[smem:$0x3FB1] =	sst s7  }
0x10: {  	[smem:$0x3FB2] =	sst s8  }
0x11: {  	[smem:$0x3FB3] =	sst s9;
	s0 =	simm.s32 @!p0 $0x0  }
0x12: {  	s1 =	sld [smem:$0x3F99];
	s0 =	simm.s32 @p0 $0x1  }
0x13: {  	[smem:$0x3FB4] =	sst s0;
	s0 =	simm.s32 @!p1 $0x0  }
0x14: {  	s2 =	sld [smem:$0x3F98];
	s0 =	simm.s32 @p1 $0x1  }
0x15: {  	[smem:$0x3FB5] =	sst s0;
	s0 =	simm.s32 @!p2 $0x0  }
0x16: {  	s3 =	sld [smem:$0x3FDB];
	s0 =	simm.s32 @p2 $0x1  }
0x17: {  	s4 =	simm.s32 $0x1BF5;
	[smem:$0x3FB7] =	sst s0  }
0x18: {  	s0 =	sld [smem:$0x3F9A];
	_ =	swait.ge [sflag:s4], $0x0  }
0x19: {  	s7 =	sld [smem:$0x3F9B]  }
0x1a: {  	s8 =	sadd.s32 $0xFFFFE003, lr  }
0x1b: {  	s9 =	sadd.s32 $0xFFFFFEF7, lr;
	s5 =	simm.s32 $0xFFFFFFFF;
	p2 =	slt.u32 s8, $0xFFFFF086  }
0x1c: {  	p1 =	slt.u32 s9, $0xF7A;
	s5 =	simm.s32 @!p2 $0x0  }
0x1d: {  	s5 =	simm.s32 @p1 $0x1;
	p0 =	seq.s32 s7, s2  }
0x1e: {  	s7 =	smul.u32 @!p0 $0xF7A, s2;
	p2 =	seq.s32 @!p0 s5, $0x0  }
0x1f: {  	s9 =	smul.u32 $0xF7A, s1;
	s8 =	simm.s32 @!p0 $0x1BF5;
	p2 =	por !p2, p0  }
0x20: {  	[sflag:s8] =	ssyncset.s32 @!p0 $0xFFFFF086;
	s6 =	sadd.s32 @!p0 s3, s7;
	s7 =	simm.s32 @!p0 $0x108  }
0x21: {  	s3 =	sadd.s32 s3, s9;
	s6 =	sadd.s32 @!p0 $0x88, s6;
	s7 =	simm.s32 @p2 $0x1082  }
0x22: {  	[simem:s7], [sflag:s8] =	dma.local @!p0 [hbm:s6], $0xF7A  }
0x23: {  	s9 =	sor.u32 $0xD0000000, s2;
	s6 =	simm.s32 $0x108;
	_ =	swait.ge @!p0 [sflag:s8], $0x0  }
0x24: {  	s3 =	sadd.s32 $0x88, s3;
	s6 =	simm.s32 @!p1 $0x1082;
	[sflag:s4] =	ssyncset.s32 $0xFFFFF086  }
0x25: {  	[simem:s6], [sflag:s4] =	dma.local [hbm:s3], $0xF7A  }
0x26: {  	[smem:$0x3F9B] =	sst s1;
	(tag) =	ssettag s2;
	_ =	strace s9  }
0x27: {  	s1 =	sld [smem:$0x3FAB]  }
0x28: {  	s2 =	sld [smem:$0x3FAC]  }
0x29: {  	s4 =	sld [smem:$0x3FAE]  }
0x2a: {  	p0 =	seq.s32 s5, $0x0;
	s5 =	sld [smem:$0x3FAF]  }
0x2b: {  	s6 =	sld [smem:$0x3FB0]  }
0x2c: {  	s7 =	sld [smem:$0x3FB1]  }
0x2d: {  	s3 =	simm.s32 $0x108;
	s8 =	sld [smem:$0x3FB2]  }
0x2e: {  	s3 =	simm.s32 @!p0 $0x1082;
	s9 =	sld [smem:$0x3FB3]  }
0x2f: {  	lr =	sadd.s32 s0, s3;
	s0 =	sld [smem:$0x3FAA]  }
0x30: {  	s3 =	sld [smem:$0x3FAD]  }
0x31: {  	[smem:$0x3FB6] =	sst s10  }
0x32: {  	s10 =	sld [smem:$0x3FB4];
	_ =	sdelay $0x3  }
0x33: {  	p0 =	seq.s32 s10, $0x1;
	s10 =	sld [smem:$0x3FB6];
	_ =	sdelay $0x3  }
0x34: {  	[smem:$0x3FB6] =	sst s10  }
0x35: {  	s10 =	sld [smem:$0x3FB5];
	_ =	sdelay $0x3  }
0x36: {  	p1 =	seq.s32 s10, $0x1;
	s10 =	sld [smem:$0x3FB6];
	_ =	sdelay $0x3  }
0x37: {  	[smem:$0x3FB6] =	sst s10  }
0x38: {  	s10 =	sld [smem:$0x3FB7]  }
0x39: {  	_ = 	snop;
	(pc) =	sbr.ind lr, $3  }
0x3a: {  	_ = 	snop  }
0x3b: {  	_ = 	snop  }
0x3c: {  	p2 =	seq.s32 s10, $0x1;
	s10 =	sld [smem:$0x3FB6]  }
0x3d: {  	_ =	shalt  }
0x3e: {  	_ =	shalt  }
0x3f: {  	_ =	shalt  }
0x40: {  	_ =	shalt  }
0x41: {  	_ =	shalt  }
0x42: {  	_ =	shalt  }
0x43: {  	_ =	shalt  }
0x44: {  	_ =	shalt  }
0x45: {  	_ =	shalt  }
0x46: {  	_ =	shalt  }
0x47: {  	_ =	shalt  }
0x48: {  	_ =	shalt  }
0x49: {  	_ =	shalt  }
0x4a: {  	_ =	shalt  }
0x4b: {  	_ =	shalt  }
0x4c: {  	_ =	shalt  }
0x4d: {  	_ =	shalt  }
0x4e: {  	_ =	shalt  }
0x4f: {  	_ =	shalt  }
0x50: {  	_ =	shalt  }
0x51: {  	_ =	shalt  }
0x52: {  	_ =	shalt  }
0x53: {  	_ =	shalt  }
0x54: {  	_ =	shalt  }
0x55: {  	_ =	shalt  }
0x56: {  	_ =	shalt  }
0x57: {  	_ =	shalt  }
0x58: {  	_ =	shalt  }
0x59: {  	_ =	shalt  }
0x5a: {  	_ =	shalt  }
0x5b: {  	_ =	shalt  }
0x5c: {  	_ =	shalt  }
0x5d: {  	_ =	shalt  }
0x5e: {  	_ =	shalt  }
0x5f: {  	_ =	shalt  }
0x60: {  	_ =	shalt  }
0x61: {  	_ =	shalt  }
0x62: {  	_ =	shalt  }
0x63: {  	_ =	shalt  }
0x64: {  	_ =	shalt  }
0x65: {  	_ =	shalt  }
0x66: {  	_ =	shalt  }
0x67: {  	_ =	shalt  }
0x68: {  	_ =	shalt  }
0x69: {  	_ =	shalt  }
0x6a: {  	_ =	shalt  }
0x6b: {  	_ =	shalt  }
0x6c: {  	_ =	shalt  }
0x6d: {  	_ =	shalt  }
0x6e: {  	_ =	shalt  }
0x6f: {  	_ =	shalt  }
0x70: {  	_ =	shalt  }
0x71: {  	_ =	shalt  }
0x72: {  	_ =	shalt  }
0x73: {  	_ =	shalt  }
0x74: {  	_ =	shalt  }
0x75: {  	_ =	shalt  }
0x76: {  	_ =	shalt  }
0x77: {  	_ =	shalt  }
0x78: {  	_ =	shalt  }
0x79: {  	_ =	shalt  }
0x7a: {  	_ =	shalt  }
0x7b: {  	_ =	shalt  }
0x7c: {  	_ =	shalt  }
0x7d: {  	_ =	shalt  }
0x7e: {  	_ =	shalt  }
0x7f: {  	_ =	shalt  }
0x80: {  	_ =	shalt  }
0x81: {  	_ =	shalt  }
0x82: {  	_ =	shalt  }
0x83: {  	_ =	shalt  }
0x84: {  	_ =	shalt  }
0x85: {  	_ =	shalt  }
0x86: {  	_ =	shalt  }
0x87: {  	_ =	shalt  }
.Lfunc_end0:
.L_simem_size_0:
called_computation_lowered:
.L_overlay_start_0:
0x88: {  	s2 =	sld [smem:$0x3FD9]  }
0x89: {  	s3 =	sld [smem:$0x3FFE];
	_ =	sdelay $0x1  }
0x8a: {  	s1 =	srdreg.scid  }
0x8b: {  	s0 =	sand.u32 $0x1, s1  }
0x8c: {  	s17 =	sshll.u32 s0, $0xA;
	s2 =	sadd.s32 s3, s2  }
0x8d: {  	s2 =	sadd.s32 s2, s17  }
0x8e: {  	[smem:$0x3FC2] =	sst s2  }
0x8f: {  	_ = 	snop  }
0x90: {  	s2 =	sld [smem:$0x3FD0];
	(tm) =	ssettm $0x1  }
0x91: {  	s18 =	sld [smem:$0x3FFB];
	_ =	sdelay $0x3  }
0x92: {  	_ =	strace s18  }
0x93: {  	s3 =	sld [smem:$0x3FFC];
	_ =	sdelay $0x3  }
0x94: {  	_ =	strace s3  }
0x95: {  	s3 =	sld [smem:$0x3FFD];
	_ =	sdelay $0x3  }
0x96: {  	_ =	strace s3  }
0x97: {  	_ =	strace $0x8FFFFFFF  }
0x98: {  	s19 =	sld [smem:$0x3FDB];
	_ =	sdelay $0x1  }
0x99: {  	s4 =	simm.s32 $_scs_section_size  }
0x9a: {  	s5 =	simm.s32 $_size__tile_overlayer_lowered;
	s6 =	simm.s32 $_tile_overlayer_lowered  }
0x9b: {  	s22 =	simm.s32 $0x1BFF;
	s21 =	sshll.u32 s6, $0x1;
	s3 =	sadd.s32 s4, s19  }
0x9c: {  	s7 =	simm.s32 $0x0;
	s20 =	sshll.u32 s5, $0x1;
	s5 =	sadd.s32 s21, s3  }
0x9d: {  	[timem:s7], [sflag:s22] =	dma.local [hbm:s5], s20  }
0x9e: {  	_ =	swait.ge [sflag:s22], s20  }
0x9f: {  	s4 =	ssub.s32 $0x0, s20;
	[sflag:s22] =	ssyncset.done $0x0  }
0xa0: {  	[sflag:s22] =	ssyncadd.s32 s4;
	_ =	sdelay $0x1  }
0xa1: {  	s23 =	simm.s32 $0x1B8B  }
0xa2: {  	_ =	swait.ge [sflag:s23], $0x1  }
0xa3: {  	[sflag:s23] =	ssyncset.done $0x0  }
0xa4: {  	s25 =	simm.s32 $0x1B8E;
	s24 =	sld [smem:$0x3FFE];
	[sflag:s23] =	ssyncadd.s32 $0xFFFFFFFF  }
0xa5: {  	s26 =	simm.s32 $execute0_lowered;
	[smem:$0x3FD2] =	sst s25  }
0xa6: {  	s5 =	sshll.u32 s26, $0x1;
	_ =	strace $0x80000046;
	[dreg:$0x1] =	wrdreg $0xFFFFFFFF  }
0xa7: {  	s28 =	simm.s32 $_size_execute0_lowered;
	s3 =	sadd.s32 s3, s5;
	[dreg:$0x0] =	wrdreg $0x0  }
0xa8: {  	s5 =	sshll.u32 s28, $0x1;
	[dreg:$0x2] =	wrdreg s3  }
0xa9: {  	[dreg:$0x3] =	wrdreg s5  }
0xaa: {  	[dreg:$0x4] =	wrdreg $0xC0  }
0xab: {  	_ =	task [dreg:s7], $0x5FFFF  }
0xac: {  	[dreg:$0x1] =	wrdreg $0xFFFFFFFF  }
0xad: {  	[dreg:$0x0] =	wrdreg $0x60  }
0xae: {  	[dreg:$0x2] =	wrdreg s24  }
0xaf: {  	[dreg:$0x3] =	wrdreg s2  }
0xb0: {  	[dreg:$0x4] =	wrdreg $0x9  }
0xb1: {  	_ =	task.clear_ibuf [dreg:s7], $0x5FFFF;
	_ =	strace $0x90000046  }
0xb2: {  	s29 =	simm.s32 $0x9;
	_ =	strace $0x80000048  }
0xb3: {  	_ =	swait.ge [sflag:s29], $0x1  }
0xb4: {  	[sflag:s29] =	ssyncadd.s32 $0xFFFFFFFF  }
0xb5: {  	_ =	strace $0x90000048  }
0xb6: {  	_ =	sfence  }
0xb7: {  	s30 =	sld [smem:$0x0];
	_ =	sdelay $0x2  }
0xb8: {  	s31 =	sshll.u32 s1, $0xD;
	s1 =	sshrl.u32 s1, $0x2  }
0xb9: {  	s3 =	sand.u32 $0x4000, s31;
	s1 =	sadd.s32 s1, s30  }
0xba: {  	s0 =	sor.u32 s3, s0;
	s1 =	sshll.u32 s1, $0x11  }
0xbb: {  	s0 =	sor.u32 s1, s0  }
0xbc: {  	s0 =	sadd.s32 $0x8F2B, s0  }
0xbd: {  	[sflag:s0] =	ssyncadd.remote.s32 $0x1  }
0xbe: {  	_ =	sfence.sel $0xFFFF  }
0xbf: {  	[dreg:$0x0] =	wrdreg $0xFFFFFFFF;
	(pc) =	sbr.abs _section_cstart, $3  }
0xc0: {  	[dreg:$0x1] =	wrdreg $0xFFFFFFFF  }
0xc1: {  	_ =	task.clear_ibuf [dreg:s7], $0x2FFFF;
	_ =	strace $0x9FFFFFFF  }
0xc2: {  	(tm) =	ssettm $0x7FFFFFFF  }
0xc3: {  	_ =	shalt  }
tec
execute0_lowered:
.L_overlay_start_1:
0x0: {  	(tag) =	ssettag $0x1  }
0x1: {  	s1 =	srdreg.scid;
	s0 =	stileid.u32  }
0x2: {  	s3 =	rddreg [dreg:$0x0];
	s9 =	sand.u32 $0x1, s1;
	s31 =	sshll.u32 s0, $0x1  }
0x3: {  	s8 =	rddreg [dreg:$0x1];
	s10 =	sor.u32 s9, s31  }
0x4: {  	s2 =	simm.s32 $0x0;
	s1 =	rddreg [dreg:$0x2];
	s4 =	sshll.u32 s10, $0x1  }
0x5: {  	[smem:$0x7FF] =	sst s2;
	s5 =	sadd.s32 s4, s3  }
0x6: {  	_ =	strace $0x80000047;
	s3 =	simm.s32 $0x1;
	s4 =	sadd.s32 $0x400, s5  }
0x7: {  	[tilespmem:s2], [sflag:$0x1] =	stream.linear.gather [hbm4b:s4+s2], $0x10, $0x38;
	[tilespmem:$0x180] =	vst v63  }
0x8: {  	_ =	swait.ge [sflag:s3], $0x10  }
0x9: {  	[sflag:s3] =	ssyncset.done $0x0  }
0xa: {  	s6 =	simm.s32 $0x80;
	s5 =	sadd.s32 $0x600, s5;
	[sflag:s3] =	ssyncadd.s32 $0xFFFFFFF0  }
0xb: {  	vm0 =	vcmask $0xB08;
	vm1 =	vcmask $0x300;
	[tilespmem:s6], [sflag:$0x1] =	stream.linear.gather [hbm4b:s5+s2], $0x10, $0x38;
	[tilespmem:$0x180] =	vst v63  }
0xc: {  	vm0 =	vmor vm1, vm0;
	vm1 =	vcmask $0x1310;
	_ =	swait.ge [sflag:s3], $0x10  }
0xd: {  	vm0 =	vmor vm0, vm1;
	vm1 =	vcmask $0x1B18;
	[sflag:s3] =	ssyncset.done $0x0  }
0xe: {  	vm0 =	vmor vm0, vm1;
	vm1 =	vcmask $0x2320;
	[sflag:s3] =	ssyncadd.s32 $0xFFFFFFF0  }
0xf: {  	v0 =	vlaneseq.u32;
	vm0 =	vmor vm0, vm1;
	vm1 =	vcmask $0x2B28;
	v2 =	vld [tilespmem:$0x0]  }
0x10: {  	vm2 =	vcmask $0x704;
	vm0 =	vmor vm0, vm1;
	vm1 =	vcmask $0x3330  }
0x11: {  	v0 =	vshrl.u32 v0, $0x1;
	vm0 =	vmor vm0, vm1;
	vm1 =	vcmask $0x3B38  }
0x12: {  	v0 =	vmul.u32 $0x8, v0;
	vm0 =	vmor vm0, vm1;
	vm1 =	vcmask $0xF0C  }
0x13: {  	v1 =	vimm.f32 $0.0e+00;
	vm1 =	vmor vm2, vm1;
	vm2 =	vcmask $0x1714  }
0x14: {  	vm1 =	vmor vm1, vm2;
	vm2 =	vcmask $0x1F1C;
	v3 =	vld [tilespmem:$0x80];
	v2 =	vadd.s32 v0, v2  }
0x15: {  	vm1 =	vmor vm1, vm2;
	vm2 =	vcmask $0x2724;
	[tilespmem:$0x130] =	vst v1  }
0x16: {  	vm1 =	vmor vm1, vm2;
	vm2 =	vcmask $0x2F2C;
	[tilespmem:$0x120] =	vst v1  }
0x17: {  	vm1 =	vmor vm1, vm2;
	vm2 =	vcmask $0x3734;
	[tilespmem:$0x110] =	vst v1  }
0x18: {  	s7 =	simm.s32 $0x100;
	vm1 =	vmor vm1, vm2;
	vm2 =	vcmask $0x3F3C;
	[tilespmem:$0x100] =	vst v1  }
0x19: {  	s9 =	ssub.s32 $0x2, s9;
	vm1 =	vmor vm1, vm2;
	[tilespmem:v2+s7+$0x0] =	vst.idx.add.f32.msk vm0, v3  }
0x1a: {  	s11 =	sshrl.u32 s9, $0x1;
	v3 =	vld [tilespmem:$0x80]  }
0x1b: {  	s9 =	ssub.s32 s9, s11  }
0x1c: {  	s9 =	smax.u32 s9, $0x1  }
0x1d: {  	p0 =	sne.s32 s9, $0x1  }
.Ltmp0:
0x1e: {  	s10 =	sshll.u32 s10, $0x3;
	(pc) =	sbr.rel @!p0 .LBB2_2-.Ltmp0, $4  }
0x1f: {  	s8 =	sadd.s32 s8, s10;
	[tilespmem:v2+s7+$0x0] =	vst.idx.add.f32.msk vm1, v3  }
0x20: {  	[hbm4b:s8+s2] =	stream.linear.scatter [tilespmem:s7], [sflag:$0x1], $0x40, $0x38;
	[tilespmem:$0x180] =	vst v63  }
0x21: {  	_ =	swait.ge [sflag:s3], $0x40  }
0x22: {  	s9 =	sadd.s32 $0xFFFFFFFF, s9;
	[sflag:s3] =	ssyncset.done $0x0  }
.LBB2_1:
0x23: {  	p0 =	sne.s32 s9, $0x1;
	s9 =	sadd.s32 $0xFFFFFFFF, s9;
	[sflag:s3] =	ssyncadd.s32 $0xFFFFFFC0  }
0x24: {  	[tilespmem:s2], [sflag:$0x1] =	stream.linear.gather [hbm4b:s4+s2], $0x10, $0x38;
	[tilespmem:$0x180] =	vst v63  }
0x25: {  	_ =	swait.ge [sflag:s3], $0x10  }
0x26: {  	[sflag:s3] =	ssyncset.done $0x0  }
0x27: {  	[sflag:s3] =	ssyncadd.s32 $0xFFFFFFF0  }
0x28: {  	[tilespmem:s6], [sflag:$0x1] =	stream.linear.gather [hbm4b:s5+s2], $0x10, $0x38;
	[tilespmem:$0x180] =	vst v63  }
0x29: {  	_ =	swait.ge [sflag:s3], $0x10  }
0x2a: {  	[sflag:s3] =	ssyncset.done $0x0  }
0x2b: {  	[sflag:s3] =	ssyncadd.s32 $0xFFFFFFF0  }
0x2c: {  	v2 =	vld [tilespmem:$0x0];
	_ =	sdelay $0x4  }
0x2d: {  	v2 =	vadd.s32 v0, v2;
	v3 =	vld [tilespmem:$0x80]  }
0x2e: {  	[tilespmem:$0x130] =	vst v1  }
0x2f: {  	[tilespmem:$0x120] =	vst v1  }
0x30: {  	[tilespmem:$0x110] =	vst v1  }
0x31: {  	[tilespmem:$0x100] =	vst v1  }
0x32: {  	[tilespmem:v2+s7+$0x0] =	vst.idx.add.f32.msk vm0, v3  }
0x33: {  	v3 =	vld [tilespmem:$0x80];
	_ =	sdelay $0x3  }
.Ltmp1:
0x34: {  	(pc) =	sbr.rel @p0 .LBB2_1-.Ltmp1, $4  }
0x35: {  	[tilespmem:v2+s7+$0x0] =	vst.idx.add.f32.msk vm1, v3  }
0x36: {  	[hbm4b:s8+s2] =	stream.linear.scatter [tilespmem:s7], [sflag:$0x1], $0x40, $0x38;
	[tilespmem:$0x180] =	vst v63  }
0x37: {  	_ =	swait.ge [sflag:s3], $0x40  }
0x38: {  	[sflag:s3] =	ssyncset.done $0x0  }
.LBB2_2:
0x39: {  	[sflag:s3] =	ssyncadd.s32 $0xFFFFFFC0  }
0x3a: {  	_ =	sfence.sel $0x180000  }
0x3b: {  	[bflag:$0x0] =	sbarrier.arrive $0xFFFF  }
0x3c: {  	p0 =	sne.s32 s0, $0x0;
	_ =	strace $0x90000047  }
0x3d: {  	s0 =	sadd.s32 @!p0 $0x100000, s1;
	[bflag:$0x2] =	sbarrier.arrive $0xFFFF  }
0x3e: {  	[sflag:s0] =	ssyncadd.tile.s32 @!p0 $0x1;
	_ =	shalt  }
.Lfunc_end2:
_tile_overlayer_lowered:
.L_overlay_start_2:
0x3f: {  	(tag) =	ssettag $0x2  }
0x40: {  	s0 =	rddreg [dreg:$0x0];
	s2 =	stileid.u32  }
0x41: {  	s1 =	rddreg [dreg:$0x1];
	p0 =	sne.s32 s2, $0x0  }
0x42: {  	s3 =	rddreg [dreg:$0x2];
	[bflag:$0x3] =	sbarrier.arrive $0xFFFF;
	s2 =	simm.s32 @!p0 $0x1C01  }
0x43: {  	[timem:s3], [sflag:s2] =	dma.local @!p0 [hbm:s0], s1  }
0x44: {  	s0 =	simm.s32 @!p0 $0x1  }
0x45: {  	_ =	swait.ge @!p0 [sflag:s0], s1  }
0x46: {  	s1 =	ssub.s32 @!p0 $0x0, s1;
	[sflag:s0] =	ssyncset.done @!p0 $0x0  }
0x47: {  	[sflag:s0] =	ssyncadd.s32 @!p0 s1  }
0x48: {  	[bflag:$0x3] =	sbarrier.arrive $0xFFFF  }
0x49: {  	_ =	shalt  }

</sc_bundles>
